<compile_context>
chip_gen: v7x
topology: tpu7x:2x2x1
jax: 0.10.2.dev20260603
libtpu: 0.0.44.dev20260713+nightly
codegen_flags: <defaults>
</compile_context>

<pallas_src>
import functools

import jax
import jax.numpy as jnp
from jax import lax
from jax.experimental import pallas as pl
from jax.experimental.pallas import tpu as pltpu
from jax.experimental.pallas import tpu_sc as plsc

B, H, W = 16, 384, 384
P = 512
NS = 16
PPT = (B * P) // NS
CH = 128
NCH = PPT // CH
LANES = 16

_mesh = plsc.VectorSubcoreMesh(
    core_axis_name="c", subcore_axis_name="s", num_cores=1)


def _lane_total(x):
    ids = lax.iota(jnp.int32, LANES)
    dnums = lax.GatherDimensionNumbers(
        offset_dims=(), collapsed_slice_dims=(0,), start_index_map=(0,))
    for shift in (1, 2, 4, 8):
        perm = (ids ^ shift).reshape(LANES, 1)
        x = x + lax.gather(x, perm, dnums, slice_sizes=(1,),
                           mode=lax.GatherScatterMode.PROMISE_IN_BOUNDS)
    return x


@functools.partial(
    pl.kernel,
    out_type=[jax.ShapeDtypeStruct((LANES,), jnp.float32),
              jax.ShapeDtypeStruct((NS, 2, LANES), jnp.float32)],
    mesh=_mesh,
    scratch_types=[
        pltpu.VMEM((PPT,), jnp.float32),
        pltpu.VMEM((PPT,), jnp.float32),
        pltpu.VMEM((PPT,), jnp.float32),
        pltpu.VMEM((PPT,), jnp.int32),
        pltpu.VMEM((PPT,), jnp.float32),
        pltpu.VMEM((2, LANES), jnp.float32),
        pltpu.VMEM((NS, 2, LANES), jnp.float32),
        pltpu.VMEM((LANES,), jnp.float32),
        pltpu.SemaphoreType.DMA,
        pltpu.SemaphoreType.DMA,
        pltpu.SemaphoreType.DMA,
    ],
)
def _depth_loss(img_hbm, rcd_hbm, out_hbm, parts_hbm,
                rows_v, cols_v, depth_v, idx_v, vals_v, part_v, all_v,
                out_v, rc_sem, d_sem, sem):
    sid = lax.axis_index("s")
    rc_cps = [
        pltpu.async_copy(rcd_hbm.at[0, sid], rows_v, rc_sem),
        pltpu.async_copy(rcd_hbm.at[1, sid], cols_v, rc_sem),
    ]
    d_cp = pltpu.async_copy(rcd_hbm.at[2, sid], depth_v, d_sem)
    for cp in rc_cps:
        cp.wait()

    boff = sid * (H // 8)

    def _idx_body(k, carry):
        r = rows_v[pl.ds(k * LANES, LANES)].astype(jnp.int32)
        c = cols_v[pl.ds(k * LANES, LANES)].astype(jnp.int32)
        tile = (boff + (r >> 3)) * 3 + (c >> 7)
        idx_v[pl.ds(k * LANES, LANES)] = (
            (tile << 10) + ((r & 7) << 7) + (c & 127))
        return carry

    lax.fori_loop(0, PPT // LANES, _idx_body, 0)
    copies = []
    for j in range(NCH):
        copies.append(pltpu.async_copy(
            img_hbm.at[idx_v.at[pl.ds(j * CH, CH)]],
            vals_v.at[pl.ds(j * CH, CH)], sem))
    d_cp.wait()
    for cp in copies:
        cp.wait()

    def _acc_body(k, carry):
        acc, cnt = carry
        v = vals_v[pl.ds(k * LANES, LANES)]
        d = depth_v[pl.ds(k * LANES, LANES)]
        m = d > 0.0
        acc = acc + jnp.where(m, jnp.abs(v - d), 0.0)
        cnt = cnt + jnp.where(m, 1.0, 0.0)
        return acc, cnt

    acc, cnt = lax.fori_loop(
        0, PPT // LANES, _acc_body,
        (jnp.zeros((LANES,), jnp.float32), jnp.zeros((LANES,), jnp.float32)))
    part_v[0, :] = acc
    part_v[1, :] = cnt
    pltpu.sync_copy(part_v, parts_hbm.at[sid])
    plsc.subcore_barrier()

    @pl.when(sid == 0)
    def _finalize():
        pltpu.sync_copy(parts_hbm, all_v)

        def _red_body(i, carry):
            s, c = carry
            return s + all_v[i, 0, :], c + all_v[i, 1, :]

        s, c = lax.fori_loop(
            0, NS, _red_body,
            (jnp.zeros((LANES,), jnp.float32),
             jnp.zeros((LANES,), jnp.float32)))
        st = _lane_total(s)
        ct = _lane_total(c)
        out_v[...] = jnp.where(
            ct > 0.0, st / jnp.maximum(ct, 1.0),
            jnp.zeros((LANES,), jnp.float32))
        pltpu.sync_copy(out_v, out_hbm)


def kernel(output, rdepth):
    img = (output.reshape(B, H // 8, 8, W // 128, 128)
           .transpose(0, 1, 3, 2, 4)
           .reshape(-1))
    rcd = jnp.transpose(rdepth, (2, 0, 1))
    loss, _ = _depth_loss(img, rcd)
    return loss[0]

# --- scband reference (transcript-rebuilt; emitter-appended) ---
"""Pipeline reference for scband-depth-loss-16810501997336 (READ-ONLY COPY).

The authoritative reference and input builder live on the scoring server;
editing this copy changes nothing except your own understanding.
"""

import jax, jax.numpy as jnp
import numpy as np

def setup_inputs(seed: int = 0):
    key = jax.random.key(seed)
    k1, k2 = jax.random.split(key)
    output = jax.random.normal(k1, (16, 1, 384, 384), dtype=jnp.float32)
    rdepth = jax.random.randint(k2, (16, 512, 3), 0, 384).astype(jnp.float32)
    return {"output": output, "rdepth": rdepth}

def reference(output, rdepth):
    # Vectorized, faithful translation of DepthLoss.forward:
    # for each batch i and point j with rdepth[i,j,2] > 0:
    #   loss += |output[i, 0, int(rdepth[i,j,0]), int(rdepth[i,j,1])] - rdepth[i,j,2]|
    # return loss / count (0 if count == 0, matching the loss*0 branch)
    B = output.shape[0]
    rows = rdepth[:, :, 0].astype(jnp.int32)
    cols = rdepth[:, :, 1].astype(jnp.int32)
    depth = rdepth[:, :, 2]
    mask = (depth > 0).astype(output.dtype)
    b_idx = jnp.arange(B)[:, None]
    gathered = output[b_idx, 0, rows, cols]
    loss_sum = jnp.sum(jnp.abs(gathered - depth) * mask)
    count = jnp.sum(mask)
    loss = jnp.where(count > 0, loss_sum / jnp.maximum(count, 1.0), jnp.zeros((), output.dtype))
    return loss

if __name__ == "__main__":
    import jax
    _d = setup_inputs()
    print(jax.jit(kernel)(*tuple(_d.values())))

</pallas_src>

<mosaic_0001>
#map = affine_map<(d0, d1) -> (0)>
#map1 = affine_map<(d0, d1) -> (0, 0, 0)>
module attributes {stable_mosaic.version = 14 : i64} {
  func.func @_depth_loss(%arg0: i32, %arg1: i32, %arg2: memref<2359296xf32, #tpu.memory_space<hbm>>, %arg3: memref<3x16x512xf32, #tpu.memory_space<hbm>>, %arg4: memref<16xf32, #tpu.memory_space<hbm>>, %arg5: memref<16x2x16xf32, #tpu.memory_space<hbm>>, %arg6: memref<512xf32, #tpu.memory_space<vmem>>, %arg7: memref<512xf32, #tpu.memory_space<vmem>>, %arg8: memref<512xf32, #tpu.memory_space<vmem>>, %arg9: memref<512xi32, #tpu.memory_space<vmem>>, %arg10: memref<512xf32, #tpu.memory_space<vmem>>, %arg11: memref<2x16xf32, #tpu.memory_space<vmem>>, %arg12: memref<16x2x16xf32, #tpu.memory_space<vmem>>, %arg13: memref<16xf32, #tpu.memory_space<vmem>>, %arg14: memref<!tpu.dma_semaphore, #tpu.memory_space<semaphore_mem>>, %arg15: memref<!tpu.dma_semaphore, #tpu.memory_space<semaphore_mem>>, %arg16: memref<!tpu.dma_semaphore, #tpu.memory_space<semaphore_mem>>) attributes {dimension_semantics = [#tpu.dimension_semantics<core_parallel>, #tpu.dimension_semantics<subcore_parallel>], iteration_bounds = array<i64: 1, 16>, scalar_prefetch = 0 : i64, scratch_operands = 11 : i64, tpu.core_type = #tpu.core_type<sc_vector_subcore>, window_params = [{transform_indices = #map}, {transform_indices = #map1}, {transform_indices = #map}, {transform_indices = #map1}]} {
    %dma_start3A = arith.constant 0 : i32
    %dma_start3A_0 = arith.constant 0 : i32
    %dma_start3A_1 = tpu.memref_slice %arg3[%dma_start3A, %arg1, %dma_start3A_0] : memref<3x16x512xf32, #tpu.memory_space<hbm>> -> memref<1x1x512xf32, #tpu.memory_space<hbm>>
    %dma_start3A_2 = tpu.memref_squeeze %dma_start3A_1 : memref<1x1x512xf32, #tpu.memory_space<hbm>> -> memref<512xf32, #tpu.memory_space<hbm>>
    %dma_start3A_3 = arith.constant 0 : i32
    %dma_start3A_4 = tpu.memref_slice %arg3[%dma_start3A, %arg1, %dma_start3A_3] : memref<3x16x512xf32, #tpu.memory_space<hbm>> -> memref<1x1x512xf32, #tpu.memory_space<hbm>>
    %dma_start3A_5 = tpu.memref_squeeze %dma_start3A_4 : memref<1x1x512xf32, #tpu.memory_space<hbm>> -> memref<512xf32, #tpu.memory_space<hbm>>
    tpu.enqueue_dma source(%dma_start3A_5 : memref<512xf32, #tpu.memory_space<hbm>>) target(%arg6 : memref<512xf32, #tpu.memory_space<vmem>>) target_semaphore(%arg14 : memref<!tpu.dma_semaphore, #tpu.memory_space<semaphore_mem>>)
    %dma_start3A_6 = arith.constant 1 : i32
    %dma_start3A_7 = arith.constant 0 : i32
    %dma_start3A_8 = tpu.memref_slice %arg3[%dma_start3A_6, %arg1, %dma_start3A_7] : memref<3x16x512xf32, #tpu.memory_space<hbm>> -> memref<1x1x512xf32, #tpu.memory_space<hbm>>
    %dma_start3A_9 = tpu.memref_squeeze %dma_start3A_8 : memref<1x1x512xf32, #tpu.memory_space<hbm>> -> memref<512xf32, #tpu.memory_space<hbm>>
    %dma_start3A_10 = arith.constant 0 : i32
    %dma_start3A_11 = tpu.memref_slice %arg3[%dma_start3A_6, %arg1, %dma_start3A_10] : memref<3x16x512xf32, #tpu.memory_space<hbm>> -> memref<1x1x512xf32, #tpu.memory_space<hbm>>
    %dma_start3A_12 = tpu.memref_squeeze %dma_start3A_11 : memref<1x1x512xf32, #tpu.memory_space<hbm>> -> memref<512xf32, #tpu.memory_space<hbm>>
    tpu.enqueue_dma source(%dma_start3A_12 : memref<512xf32, #tpu.memory_space<hbm>>) target(%arg7 : memref<512xf32, #tpu.memory_space<vmem>>) target_semaphore(%arg14 : memref<!tpu.dma_semaphore, #tpu.memory_space<semaphore_mem>>)
    %dma_start3A_13 = arith.constant 2 : i32
    %dma_start3A_14 = arith.constant 0 : i32
    %dma_start3A_15 = tpu.memref_slice %arg3[%dma_start3A_13, %arg1, %dma_start3A_14] : memref<3x16x512xf32, #tpu.memory_space<hbm>> -> memref<1x1x512xf32, #tpu.memory_space<hbm>>
    %dma_start3A_16 = tpu.memref_squeeze %dma_start3A_15 : memref<1x1x512xf32, #tpu.memory_space<hbm>> -> memref<512xf32, #tpu.memory_space<hbm>>
    %dma_start3A_17 = arith.constant 0 : i32
    %dma_start3A_18 = tpu.memref_slice %arg3[%dma_start3A_13, %arg1, %dma_start3A_17] : memref<3x16x512xf32, #tpu.memory_space<hbm>> -> memref<1x1x512xf32, #tpu.memory_space<hbm>>
    %dma_start3A_19 = tpu.memref_squeeze %dma_start3A_18 : memref<1x1x512xf32, #tpu.memory_space<hbm>> -> memref<512xf32, #tpu.memory_space<hbm>>
    tpu.enqueue_dma source(%dma_start3A_19 : memref<512xf32, #tpu.memory_space<hbm>>) target(%arg8 : memref<512xf32, #tpu.memory_space<vmem>>) target_semaphore(%arg15 : memref<!tpu.dma_semaphore, #tpu.memory_space<semaphore_mem>>)
    %dma_wait3A = arith.constant 0 : i32
    %dma_wait3A_20 = arith.constant 0 : i32
    %dma_wait3A_21 = tpu.memref_slice %arg3[%dma_wait3A, %arg1, %dma_wait3A_20] : memref<3x16x512xf32, #tpu.memory_space<hbm>> -> memref<1x1x512xf32, #tpu.memory_space<hbm>>
    %dma_wait3A_22 = tpu.memref_squeeze %dma_wait3A_21 : memref<1x1x512xf32, #tpu.memory_space<hbm>> -> memref<512xf32, #tpu.memory_space<hbm>>
    %dma_wait3A_23 = arith.constant 0 : i32
    %dma_wait3A_24 = tpu.memref_slice %arg3[%dma_wait3A, %arg1, %dma_wait3A_23] : memref<3x16x512xf32, #tpu.memory_space<hbm>> -> memref<1x1x512xf32, #tpu.memory_space<hbm>>
    %dma_wait3A_25 = tpu.memref_squeeze %dma_wait3A_24 : memref<1x1x512xf32, #tpu.memory_space<hbm>> -> memref<512xf32, #tpu.memory_space<hbm>>
    tpu.wait_dma2 semaphore(%arg14 : memref<!tpu.dma_semaphore, #tpu.memory_space<semaphore_mem>>) src(%dma_wait3A_25 : memref<512xf32, #tpu.memory_space<hbm>>) dst(%arg6 : memref<512xf32, #tpu.memory_space<vmem>>)
    %dma_wait3A_26 = arith.constant 1 : i32
    %dma_wait3A_27 = arith.constant 0 : i32
    %dma_wait3A_28 = tpu.memref_slice %arg3[%dma_wait3A_26, %arg1, %dma_wait3A_27] : memref<3x16x512xf32, #tpu.memory_space<hbm>> -> memref<1x1x512xf32, #tpu.memory_space<hbm>>
    %dma_wait3A_29 = tpu.memref_squeeze %dma_wait3A_28 : memref<1x1x512xf32, #tpu.memory_space<hbm>> -> memref<512xf32, #tpu.memory_space<hbm>>
    %dma_wait3A_30 = arith.constant 0 : i32
    %dma_wait3A_31 = tpu.memref_slice %arg3[%dma_wait3A_26, %arg1, %dma_wait3A_30] : memref<3x16x512xf32, #tpu.memory_space<hbm>> -> memref<1x1x512xf32, #tpu.memory_space<hbm>>
    %dma_wait3A_32 = tpu.memref_squeeze %dma_wait3A_31 : memref<1x1x512xf32, #tpu.memory_space<hbm>> -> memref<512xf32, #tpu.memory_space<hbm>>
    tpu.wait_dma2 semaphore(%arg14 : memref<!tpu.dma_semaphore, #tpu.memory_space<semaphore_mem>>) src(%dma_wait3A_32 : memref<512xf32, #tpu.memory_space<hbm>>) dst(%arg7 : memref<512xf32, #tpu.memory_space<vmem>>)
    %mul3A = arith.constant 48 : i32
    %mul3A_33 = arith.muli %arg1, %mul3A : i32
    %scan3A = arith.constant 0 : i32
    %scan3A_34 = arith.constant 0 : i32
    %scan3A_35 = arith.constant 32 : i32
    %scan3A_36 = arith.addi %scan3A_34, %scan3A_35 : i32
    %scan3A_37 = arith.constant 1 : i32
    scf.for %scan3A_116 = %scan3A_34 to %scan3A_36 step %scan3A_37  : i32 {
      %mul3A_117 = arith.constant 16 : i32
      %mul3A_118 = arith.muli %scan3A_116, %mul3A_117 : i32
      %get3A = arith.index_cast %mul3A_118 : i32 to index
      %get3A_119 = tpu.vector_load %arg6[%get3A] {strides = array<i32>} : memref<512xf32, #tpu.memory_space<vmem>>, vector<16xf32>,
      %get3A_120 = vector.shape_cast %get3A_119 : vector<16xf32> to vector<16xf32>
      %convert_element_type3A_121 = arith.fptosi %get3A_120 : vector<16xf32> to vector<16xi32>
      %mul3A_122 = arith.constant 16 : i32
      %mul3A_123 = arith.muli %scan3A_116, %mul3A_122 : i32
      %get3A_124 = arith.index_cast %mul3A_123 : i32 to index
      %get3A_125 = tpu.vector_load %arg7[%get3A_124] {strides = array<i32>} : memref<512xf32, #tpu.memory_space<vmem>>, vector<16xf32>,
      %get3A_126 = vector.shape_cast %get3A_125 : vector<16xf32> to vector<16xf32>
      %convert_element_type3A_127 = arith.fptosi %get3A_126 : vector<16xf32> to vector<16xi32>
      %shift_right_arithmetic3A = arith.constant 3 : i32
      %shift_right_arithmetic3A_128 = vector.broadcast %shift_right_arithmetic3A : i32 to vector<16xi32>
      %shift_right_arithmetic3A_129 = arith.shrsi %convert_element_type3A_121, %shift_right_arithmetic3A_128 : vector<16xi32>
      %add3A = vector.broadcast %mul3A_33 : i32 to vector<16xi32>
      %add3A_130 = arith.addi %add3A, %shift_right_arithmetic3A_129 : vector<16xi32>
      %mul3A_131 = arith.constant 3 : i32
      %mul3A_132 = vector.broadcast %mul3A_131 : i32 to vector<16xi32>
      %mul3A_133 = arith.muli %add3A_130, %mul3A_132 : vector<16xi32>
      %shift_right_arithmetic3A_134 = arith.constant 7 : i32
      %shift_right_arithmetic3A_135 = vector.broadcast %shift_right_arithmetic3A_134 : i32 to vector<16xi32>
      %shift_right_arithmetic3A_136 = arith.shrsi %convert_element_type3A_127, %shift_right_arithmetic3A_135 : vector<16xi32>
      %add3A_137 = arith.addi %mul3A_133, %shift_right_arithmetic3A_136 : vector<16xi32>
      %shift_left3A = arith.constant 10 : i32
      %shift_left3A_138 = vector.broadcast %shift_left3A : i32 to vector<16xi32>
      %shift_left3A_139 = arith.shli %add3A_137, %shift_left3A_138 : vector<16xi32>
      %and3A = arith.constant 7 : i32
      %and3A_140 = vector.broadcast %and3A : i32 to vector<16xi32>
      %and3A_141 = arith.andi %convert_element_type3A_121, %and3A_140 : vector<16xi32>
      %shift_left3A_142 = arith.constant 7 : i32
      %shift_left3A_143 = vector.broadcast %shift_left3A_142 : i32 to vector<16xi32>
      %shift_left3A_144 = arith.shli %and3A_141, %shift_left3A_143 : vector<16xi32>
      %add3A_145 = arith.addi %shift_left3A_139, %shift_left3A_144 : vector<16xi32>
      %and3A_146 = arith.constant 127 : i32
      %and3A_147 = vector.broadcast %and3A_146 : i32 to vector<16xi32>
      %and3A_148 = arith.andi %convert_element_type3A_127, %and3A_147 : vector<16xi32>
      %add3A_149 = arith.addi %add3A_145, %and3A_148 : vector<16xi32>
      %mul3A_150 = arith.constant 16 : i32
      %mul3A_151 = arith.muli %scan3A_116, %mul3A_150 : i32
      %swap3A_152 = arith.index_cast %mul3A_151 : i32 to index
      %swap3A_153 = tpu.vector_load %arg9[%swap3A_152] {strides = array<i32>} : memref<512xi32, #tpu.memory_space<vmem>>, vector<16xi32>,
      %swap3A_154 = vector.shape_cast %swap3A_153 : vector<16xi32> to vector<16xi32>
      %swap3A_155 = vector.shape_cast %add3A_149 : vector<16xi32> to vector<16xi32>
      tpu.vector_store %arg9[%swap3A_152], %swap3A_155 {strides = array<i32>} : memref<512xi32, #tpu.memory_space<vmem>>, vector<16xi32>,
    }
    %scan3A_38 = arith.constant 32 : i32
    %dma_start3A_39 = arith.constant 0 : i32
    %dma_start3A_40 = tpu.memref_slice %arg10[%dma_start3A_39] : memref<512xf32, #tpu.memory_space<vmem>> -> memref<128xf32, #tpu.memory_space<vmem>>
    %dma_start3A_41 = arith.constant 0 : i32
    %dma_start3A_42 = tpu.memref_slice %arg9[%dma_start3A_41] : memref<512xi32, #tpu.memory_space<vmem>> -> memref<128xi32, #tpu.memory_space<vmem>>
    %dma_start3A_43 = arith.constant 0 : i32
    %dma_start3A_44 = tpu.memref_slice %arg2[%dma_start3A_43] : memref<2359296xf32, #tpu.memory_space<hbm>> -> memref<2359296xf32, #tpu.memory_space<hbm>>
    tpu.enqueue_indirect_dma source(%dma_start3A_44 : memref<2359296xf32, #tpu.memory_space<hbm>>) target(%dma_start3A_40 : memref<128xf32, #tpu.memory_space<vmem>>) offsets(%dma_start3A_42 : memref<128xi32, #tpu.memory_space<vmem>>) semaphore(%arg16 : memref<!tpu.dma_semaphore, #tpu.memory_space<semaphore_mem>>)
    %dma_start3A_45 = arith.constant 128 : i32
    %dma_start3A_46 = tpu.memref_slice %arg10[%dma_start3A_45] : memref<512xf32, #tpu.memory_space<vmem>> -> memref<128xf32, #tpu.memory_space<vmem>>
    %dma_start3A_47 = arith.constant 128 : i32
    %dma_start3A_48 = tpu.memref_slice %arg9[%dma_start3A_47] : memref<512xi32, #tpu.memory_space<vmem>> -> memref<128xi32, #tpu.memory_space<vmem>>
    %dma_start3A_49 = arith.constant 0 : i32
    %dma_start3A_50 = tpu.memref_slice %arg2[%dma_start3A_49] : memref<2359296xf32, #tpu.memory_space<hbm>> -> memref<2359296xf32, #tpu.memory_space<hbm>>
    tpu.enqueue_indirect_dma source(%dma_start3A_50 : memref<2359296xf32, #tpu.memory_space<hbm>>) target(%dma_start3A_46 : memref<128xf32, #tpu.memory_space<vmem>>) offsets(%dma_start3A_48 : memref<128xi32, #tpu.memory_space<vmem>>) semaphore(%arg16 : memref<!tpu.dma_semaphore, #tpu.memory_space<semaphore_mem>>)
    %dma_start3A_51 = arith.constant 256 : i32
    %dma_start3A_52 = tpu.memref_slice %arg10[%dma_start3A_51] : memref<512xf32, #tpu.memory_space<vmem>> -> memref<128xf32, #tpu.memory_space<vmem>>
    %dma_start3A_53 = arith.constant 256 : i32
    %dma_start3A_54 = tpu.memref_slice %arg9[%dma_start3A_53] : memref<512xi32, #tpu.memory_space<vmem>> -> memref<128xi32, #tpu.memory_space<vmem>>
    %dma_start3A_55 = arith.constant 0 : i32
    %dma_start3A_56 = tpu.memref_slice %arg2[%dma_start3A_55] : memref<2359296xf32, #tpu.memory_space<hbm>> -> memref<2359296xf32, #tpu.memory_space<hbm>>
    tpu.enqueue_indirect_dma source(%dma_start3A_56 : memref<2359296xf32, #tpu.memory_space<hbm>>) target(%dma_start3A_52 : memref<128xf32, #tpu.memory_space<vmem>>) offsets(%dma_start3A_54 : memref<128xi32, #tpu.memory_space<vmem>>) semaphore(%arg16 : memref<!tpu.dma_semaphore, #tpu.memory_space<semaphore_mem>>)
    %dma_start3A_57 = arith.constant 384 : i32
    %dma_start3A_58 = tpu.memref_slice %arg10[%dma_start3A_57] : memref<512xf32, #tpu.memory_space<vmem>> -> memref<128xf32, #tpu.memory_space<vmem>>
    %dma_start3A_59 = arith.constant 384 : i32
    %dma_start3A_60 = tpu.memref_slice %arg9[%dma_start3A_59] : memref<512xi32, #tpu.memory_space<vmem>> -> memref<128xi32, #tpu.memory_space<vmem>>
    %dma_start3A_61 = arith.constant 0 : i32
    %dma_start3A_62 = tpu.memref_slice %arg2[%dma_start3A_61] : memref<2359296xf32, #tpu.memory_space<hbm>> -> memref<2359296xf32, #tpu.memory_space<hbm>>
    tpu.enqueue_indirect_dma source(%dma_start3A_62 : memref<2359296xf32, #tpu.memory_space<hbm>>) target(%dma_start3A_58 : memref<128xf32, #tpu.memory_space<vmem>>) offsets(%dma_start3A_60 : memref<128xi32, #tpu.memory_space<vmem>>) semaphore(%arg16 : memref<!tpu.dma_semaphore, #tpu.memory_space<semaphore_mem>>)
    %dma_wait3A_63 = arith.constant 2 : i32
    %dma_wait3A_64 = arith.constant 0 : i32
    %dma_wait3A_65 = tpu.memref_slice %arg3[%dma_wait3A_63, %arg1, %dma_wait3A_64] : memref<3x16x512xf32, #tpu.memory_space<hbm>> -> memref<1x1x512xf32, #tpu.memory_space<hbm>>
    %dma_wait3A_66 = tpu.memref_squeeze %dma_wait3A_65 : memref<1x1x512xf32, #tpu.memory_space<hbm>> -> memref<512xf32, #tpu.memory_space<hbm>>
    %dma_wait3A_67 = arith.constant 0 : i32
    %dma_wait3A_68 = tpu.memref_slice %arg3[%dma_wait3A_63, %arg1, %dma_wait3A_67] : memref<3x16x512xf32, #tpu.memory_space<hbm>> -> memref<1x1x512xf32, #tpu.memory_space<hbm>>
    %dma_wait3A_69 = tpu.memref_squeeze %dma_wait3A_68 : memref<1x1x512xf32, #tpu.memory_space<hbm>> -> memref<512xf32, #tpu.memory_space<hbm>>
    tpu.wait_dma2 semaphore(%arg15 : memref<!tpu.dma_semaphore, #tpu.memory_space<semaphore_mem>>) src(%dma_wait3A_69 : memref<512xf32, #tpu.memory_space<hbm>>) dst(%arg8 : memref<512xf32, #tpu.memory_space<vmem>>)
    %dma_wait3A_70 = arith.constant 0 : i32
    %dma_wait3A_71 = tpu.memref_slice %arg10[%dma_wait3A_70] : memref<512xf32, #tpu.memory_space<vmem>> -> memref<128xf32, #tpu.memory_space<vmem>>
    %dma_wait3A_72 = arith.constant 0 : i32
    %dma_wait3A_73 = tpu.memref_slice %arg9[%dma_wait3A_72] : memref<512xi32, #tpu.memory_space<vmem>> -> memref<128xi32, #tpu.memory_space<vmem>>
    %dma_wait3A_74 = arith.constant 0 : i32
    %dma_wait3A_75 = tpu.memref_slice %arg2[%dma_wait3A_74] : memref<2359296xf32, #tpu.memory_space<hbm>> -> memref<2359296xf32, #tpu.memory_space<hbm>>
    tpu.wait_indirect_dma semaphore(%arg16 : memref<!tpu.dma_semaphore, #tpu.memory_space<semaphore_mem>>) src(%dma_wait3A_75 : memref<2359296xf32, #tpu.memory_space<hbm>>) dst(%dma_wait3A_71 : memref<128xf32, #tpu.memory_space<vmem>>)
    %dma_wait3A_76 = arith.constant 128 : i32
    %dma_wait3A_77 = tpu.memref_slice %arg10[%dma_wait3A_76] : memref<512xf32, #tpu.memory_space<vmem>> -> memref<128xf32, #tpu.memory_space<vmem>>
    %dma_wait3A_78 = arith.constant 128 : i32
    %dma_wait3A_79 = tpu.memref_slice %arg9[%dma_wait3A_78] : memref<512xi32, #tpu.memory_space<vmem>> -> memref<128xi32, #tpu.memory_space<vmem>>
    %dma_wait3A_80 = arith.constant 0 : i32
    %dma_wait3A_81 = tpu.memref_slice %arg2[%dma_wait3A_80] : memref<2359296xf32, #tpu.memory_space<hbm>> -> memref<2359296xf32, #tpu.memory_space<hbm>>
    tpu.wait_indirect_dma semaphore(%arg16 : memref<!tpu.dma_semaphore, #tpu.memory_space<semaphore_mem>>) src(%dma_wait3A_81 : memref<2359296xf32, #tpu.memory_space<hbm>>) dst(%dma_wait3A_77 : memref<128xf32, #tpu.memory_space<vmem>>)
    %dma_wait3A_82 = arith.constant 256 : i32
    %dma_wait3A_83 = tpu.memref_slice %arg10[%dma_wait3A_82] : memref<512xf32, #tpu.memory_space<vmem>> -> memref<128xf32, #tpu.memory_space<vmem>>
    %dma_wait3A_84 = arith.constant 256 : i32
    %dma_wait3A_85 = tpu.memref_slice %arg9[%dma_wait3A_84] : memref<512xi32, #tpu.memory_space<vmem>> -> memref<128xi32, #tpu.memory_space<vmem>>
    %dma_wait3A_86 = arith.constant 0 : i32
    %dma_wait3A_87 = tpu.memref_slice %arg2[%dma_wait3A_86] : memref<2359296xf32, #tpu.memory_space<hbm>> -> memref<2359296xf32, #tpu.memory_space<hbm>>
    tpu.wait_indirect_dma semaphore(%arg16 : memref<!tpu.dma_semaphore, #tpu.memory_space<semaphore_mem>>) src(%dma_wait3A_87 : memref<2359296xf32, #tpu.memory_space<hbm>>) dst(%dma_wait3A_83 : memref<128xf32, #tpu.memory_space<vmem>>)
    %dma_wait3A_88 = arith.constant 384 : i32
    %dma_wait3A_89 = tpu.memref_slice %arg10[%dma_wait3A_88] : memref<512xf32, #tpu.memory_space<vmem>> -> memref<128xf32, #tpu.memory_space<vmem>>
    %dma_wait3A_90 = arith.constant 384 : i32
    %dma_wait3A_91 = tpu.memref_slice %arg9[%dma_wait3A_90] : memref<512xi32, #tpu.memory_space<vmem>> -> memref<128xi32, #tpu.memory_space<vmem>>
    %dma_wait3A_92 = arith.constant 0 : i32
    %dma_wait3A_93 = tpu.memref_slice %arg2[%dma_wait3A_92] : memref<2359296xf32, #tpu.memory_space<hbm>> -> memref<2359296xf32, #tpu.memory_space<hbm>>
    tpu.wait_indirect_dma semaphore(%arg16 : memref<!tpu.dma_semaphore, #tpu.memory_space<semaphore_mem>>) src(%dma_wait3A_93 : memref<2359296xf32, #tpu.memory_space<hbm>>) dst(%dma_wait3A_89 : memref<128xf32, #tpu.memory_space<vmem>>)
    %broadcast_in_dim3A = arith.constant 0.000000e+00 : f32
    %broadcast_in_dim3A_94 = vector.broadcast %broadcast_in_dim3A : f32 to vector<16xf32>
    %broadcast_in_dim3A_95 = arith.constant 0.000000e+00 : f32
    %broadcast_in_dim3A_96 = vector.broadcast %broadcast_in_dim3A_95 : f32 to vector<16xf32>
    %scan3A_97 = arith.constant 0 : i32
    %scan3A_98 = arith.constant 32 : i32
    %scan3A_99 = arith.addi %scan3A_97, %scan3A_98 : i32
    %scan3A_100 = arith.constant 1 : i32
    %scan3A_101:2 = scf.for %scan3A_116 = %scan3A_97 to %scan3A_99 step %scan3A_100 iter_args(%scan3A_117 = %broadcast_in_dim3A_94, %scan3A_118 = %broadcast_in_dim3A_96) -> (vector<16xf32>, vector<16xf32>)  : i32 {
      %mul3A_119 = arith.constant 16 : i32
      %mul3A_120 = arith.muli %scan3A_116, %mul3A_119 : i32
      %get3A = arith.index_cast %mul3A_120 : i32 to index
      %get3A_121 = tpu.vector_load %arg10[%get3A] {strides = array<i32>} : memref<512xf32, #tpu.memory_space<vmem>>, vector<16xf32>,
      %get3A_122 = vector.shape_cast %get3A_121 : vector<16xf32> to vector<16xf32>
      %mul3A_123 = arith.constant 16 : i32
      %mul3A_124 = arith.muli %scan3A_116, %mul3A_123 : i32
      %get3A_125 = arith.index_cast %mul3A_124 : i32 to index
      %get3A_126 = tpu.vector_load %arg8[%get3A_125] {strides = array<i32>} : memref<512xf32, #tpu.memory_space<vmem>>, vector<16xf32>,
      %get3A_127 = vector.shape_cast %get3A_126 : vector<16xf32> to vector<16xf32>
      %gt3A = arith.constant 0.000000e+00 : f32
      %gt3A_128 = vector.broadcast %gt3A : f32 to vector<16xf32>
      %gt3A_129 = arith.cmpf ogt, %get3A_127, %gt3A_128 : vector<16xf32>
      %sub3A = arith.subf %get3A_122, %get3A_127 : vector<16xf32>
      %abs3A = math.absf %sub3A : vector<16xf32>
      %jit3A = arith.constant 0.000000e+00 : f32
      %broadcast_in_dim3A_130 = vector.broadcast %jit3A : f32 to vector<16xf32>
      %select_n3A = arith.select %gt3A_129, %abs3A, %broadcast_in_dim3A_130 : vector<16xi1>, vector<16xf32>
      %add3A = arith.addf %scan3A_117, %select_n3A : vector<16xf32>
      %jit3A_131 = arith.constant 1.000000e+00 : f32
      %jit3A_132 = arith.constant 0.000000e+00 : f32
      %broadcast_in_dim3A_133 = vector.broadcast %jit3A_131 : f32 to vector<16xf32>
      %broadcast_in_dim3A_134 = vector.broadcast %jit3A_132 : f32 to vector<16xf32>
      %select_n3A_135 = arith.select %gt3A_129, %broadcast_in_dim3A_133, %broadcast_in_dim3A_134 : vector<16xi1>, vector<16xf32>
      %add3A_136 = arith.addf %scan3A_118, %select_n3A_135 : vector<16xf32>
      scf.yield %add3A, %add3A_136 : vector<16xf32>, vector<16xf32>
    }
    %scan3A_102 = arith.constant 32 : i32
    %swap3A = arith.constant 0 : i32
    %swap3A_103 = arith.index_cast %swap3A : i32 to index
    %swap3A_104 = arith.constant 0 : index
    %swap3A_105 = tpu.vector_load %arg11[%swap3A_103, %swap3A_104] {strides = array<i32>} : memref<2x16xf32, #tpu.memory_space<vmem>>, vector<1x16xf32>,
    %swap3A_106 = vector.shape_cast %swap3A_105 : vector<1x16xf32> to vector<16xf32>
    %swap3A_107 = vector.shape_cast %scan3A_101#0 : vector<16xf32> to vector<1x16xf32>
    tpu.vector_store %arg11[%swap3A_103, %swap3A_104], %swap3A_107 {strides = array<i32>} : memref<2x16xf32, #tpu.memory_space<vmem>>, vector<1x16xf32>,
    %swap3A_108 = arith.constant 1 : i32
    %swap3A_109 = arith.index_cast %swap3A_108 : i32 to index
    %swap3A_110 = arith.constant 0 : index
    %swap3A_111 = tpu.vector_load %arg11[%swap3A_109, %swap3A_110] {strides = array<i32>} : memref<2x16xf32, #tpu.memory_space<vmem>>, vector<1x16xf32>,
    %swap3A_112 = vector.shape_cast %swap3A_111 : vector<1x16xf32> to vector<16xf32>
    %swap3A_113 = vector.shape_cast %scan3A_101#1 : vector<16xf32> to vector<1x16xf32>
    tpu.vector_store %arg11[%swap3A_109, %swap3A_110], %swap3A_113 {strides = array<i32>} : memref<2x16xf32, #tpu.memory_space<vmem>>, vector<1x16xf32>,
    "tpu.region"() ({
      %run_scoped3A = tpu.sem_alloc : memref<!tpu.dma_semaphore, #tpu.memory_space<semaphore_mem>>
      %dma_start3A_116 = arith.constant 0 : i32
      %dma_start3A_117 = arith.constant 0 : i32
      %dma_start3A_118 = tpu.memref_slice %arg5[%arg1, %dma_start3A_116, %dma_start3A_117] : memref<16x2x16xf32, #tpu.memory_space<hbm>> -> memref<1x2x16xf32, #tpu.memory_space<hbm>>
      %dma_start3A_119 = tpu.memref_squeeze %dma_start3A_118 : memref<1x2x16xf32, #tpu.memory_space<hbm>> -> memref<2x16xf32, #tpu.memory_space<hbm>>
      %dma_start3A_120 = arith.constant 0 : i32
      %dma_start3A_121 = arith.constant 0 : i32
      %dma_start3A_122 = tpu.memref_slice %arg5[%arg1, %dma_start3A_120, %dma_start3A_121] : memref<16x2x16xf32, #tpu.memory_space<hbm>> -> memref<1x2x16xf32, #tpu.memory_space<hbm>>
      %dma_start3A_123 = tpu.memref_squeeze %dma_start3A_122 : memref<1x2x16xf32, #tpu.memory_space<hbm>> -> memref<2x16xf32, #tpu.memory_space<hbm>>
      tpu.enqueue_dma source(%arg11 : memref<2x16xf32, #tpu.memory_space<vmem>>) target(%dma_start3A_123 : memref<2x16xf32, #tpu.memory_space<hbm>>) target_semaphore(%run_scoped3A : memref<!tpu.dma_semaphore, #tpu.memory_space<semaphore_mem>>)
      %dma_wait3A_124 = arith.constant 0 : i32
      %dma_wait3A_125 = arith.constant 0 : i32
      %dma_wait3A_126 = tpu.memref_slice %arg5[%arg1, %dma_wait3A_124, %dma_wait3A_125] : memref<16x2x16xf32, #tpu.memory_space<hbm>> -> memref<1x2x16xf32, #tpu.memory_space<hbm>>
      %dma_wait3A_127 = tpu.memref_squeeze %dma_wait3A_126 : memref<1x2x16xf32, #tpu.memory_space<hbm>> -> memref<2x16xf32, #tpu.memory_space<hbm>>
      %dma_wait3A_128 = arith.constant 0 : i32
      %dma_wait3A_129 = arith.constant 0 : i32
      %dma_wait3A_130 = tpu.memref_slice %arg5[%arg1, %dma_wait3A_128, %dma_wait3A_129] : memref<16x2x16xf32, #tpu.memory_space<hbm>> -> memref<1x2x16xf32, #tpu.memory_space<hbm>>
      %dma_wait3A_131 = tpu.memref_squeeze %dma_wait3A_130 : memref<1x2x16xf32, #tpu.memory_space<hbm>> -> memref<2x16xf32, #tpu.memory_space<hbm>>
      tpu.wait_dma2 semaphore(%run_scoped3A : memref<!tpu.dma_semaphore, #tpu.memory_space<semaphore_mem>>) src(%arg11 : memref<2x16xf32, #tpu.memory_space<vmem>>) dst(%dma_wait3A_131 : memref<2x16xf32, #tpu.memory_space<hbm>>)
      tpu.yield
    }) : () -> ()
    %barrier3A = arith.constant 0 : index
    tpu.barrier barrier_id(%barrier3A)
    %eq3A = arith.constant 0 : i32
    %eq3A_114 = arith.cmpi eq, %arg1, %eq3A : i32
    %convert_element_type3A = arith.extui %eq3A_114 : i1 to i32
    %cond3A = arith.constant 0 : i32
    %cond3A_115 = arith.cmpi ne, %convert_element_type3A, %cond3A : i32
    scf.if %cond3A_115 {
      "tpu.region"() ({
        %run_scoped3A = tpu.sem_alloc : memref<!tpu.dma_semaphore, #tpu.memory_space<semaphore_mem>>
        tpu.enqueue_dma source(%arg5 : memref<16x2x16xf32, #tpu.memory_space<hbm>>) target(%arg12 : memref<16x2x16xf32, #tpu.memory_space<vmem>>) target_semaphore(%run_scoped3A : memref<!tpu.dma_semaphore, #tpu.memory_space<semaphore_mem>>)
        tpu.wait_dma2 semaphore(%run_scoped3A : memref<!tpu.dma_semaphore, #tpu.memory_space<semaphore_mem>>) src(%arg5 : memref<16x2x16xf32, #tpu.memory_space<hbm>>) dst(%arg12 : memref<16x2x16xf32, #tpu.memory_space<vmem>>)
        tpu.yield
      }) : () -> ()
      %broadcast_in_dim3A_116 = arith.constant 0.000000e+00 : f32
      %broadcast_in_dim3A_117 = vector.broadcast %broadcast_in_dim3A_116 : f32 to vector<16xf32>
      %broadcast_in_dim3A_118 = arith.constant 0.000000e+00 : f32
      %broadcast_in_dim3A_119 = vector.broadcast %broadcast_in_dim3A_118 : f32 to vector<16xf32>
      %scan3A_120 = arith.constant 0 : i32
      %scan3A_121 = arith.constant 16 : i32
      %scan3A_122 = arith.addi %scan3A_120, %scan3A_121 : i32
      %scan3A_123 = arith.constant 1 : i32
      %scan3A_124:2 = scf.for %scan3A_189 = %scan3A_120 to %scan3A_122 step %scan3A_123 iter_args(%scan3A_190 = %broadcast_in_dim3A_117, %scan3A_191 = %broadcast_in_dim3A_119) -> (vector<16xf32>, vector<16xf32>)  : i32 {
        %get3A = arith.constant 0 : i32
        %get3A_192 = arith.index_cast %scan3A_189 : i32 to index
        %get3A_193 = arith.index_cast %get3A : i32 to index
        %get3A_194 = arith.constant 0 : index
        %get3A_195 = tpu.vector_load %arg12[%get3A_192, %get3A_193, %get3A_194] {strides = array<i32>} : memref<16x2x16xf32, #tpu.memory_space<vmem>>, vector<1x1x16xf32>,
        %get3A_196 = vector.shape_cast %get3A_195 : vector<1x1x16xf32> to vector<16xf32>
        %add3A_197 = arith.addf %scan3A_190, %get3A_196 : vector<16xf32>
        %get3A_198 = arith.constant 1 : i32
        %get3A_199 = arith.index_cast %scan3A_189 : i32 to index
        %get3A_200 = arith.index_cast %get3A_198 : i32 to index
        %get3A_201 = arith.constant 0 : index
        %get3A_202 = tpu.vector_load %arg12[%get3A_199, %get3A_200, %get3A_201] {strides = array<i32>} : memref<16x2x16xf32, #tpu.memory_space<vmem>>, vector<1x1x16xf32>,
        %get3A_203 = vector.shape_cast %get3A_202 : vector<1x1x16xf32> to vector<16xf32>
        %add3A_204 = arith.addf %scan3A_191, %get3A_203 : vector<16xf32>
        scf.yield %add3A_197, %add3A_204 : vector<16xf32>, vector<16xf32>
      }
      %scan3A_125 = arith.constant 16 : i32
      %iota3A = tpu.iota {dimensions = array<i32: 0>} : vector<16xi32>
      %xor3A = arith.constant 1 : i32
      %xor3A_126 = vector.broadcast %xor3A : i32 to vector<16xi32>
      %xor3A_127 = arith.xori %iota3A, %xor3A_126 : vector<16xi32>
      %reshape3A = vector.shape_cast %xor3A_127 : vector<16xi32> to vector<16x1xi32>
      %gather3A = vector.shape_cast %reshape3A : vector<16x1xi32> to vector<16xi32>
      %gather3A_128 = tpu.dynamic_gather %scan3A_124#0[%gather3A] in [0] : vector<16xf32>, vector<16xi32> -> vector<16xf32>
      %add3A = arith.addf %scan3A_124#0, %gather3A_128 : vector<16xf32>
      %xor3A_129 = arith.constant 2 : i32
      %xor3A_130 = vector.broadcast %xor3A_129 : i32 to vector<16xi32>
      %xor3A_131 = arith.xori %iota3A, %xor3A_130 : vector<16xi32>
      %reshape3A_132 = vector.shape_cast %xor3A_131 : vector<16xi32> to vector<16x1xi32>
      %gather3A_133 = vector.shape_cast %reshape3A_132 : vector<16x1xi32> to vector<16xi32>
      %gather3A_134 = tpu.dynamic_gather %add3A[%gather3A_133] in [0] : vector<16xf32>, vector<16xi32> -> vector<16xf32>
      %add3A_135 = arith.addf %add3A, %gather3A_134 : vector<16xf32>
      %xor3A_136 = arith.constant 4 : i32
      %xor3A_137 = vector.broadcast %xor3A_136 : i32 to vector<16xi32>
      %xor3A_138 = arith.xori %iota3A, %xor3A_137 : vector<16xi32>
      %reshape3A_139 = vector.shape_cast %xor3A_138 : vector<16xi32> to vector<16x1xi32>
      %gather3A_140 = vector.shape_cast %reshape3A_139 : vector<16x1xi32> to vector<16xi32>
      %gather3A_141 = tpu.dynamic_gather %add3A_135[%gather3A_140] in [0] : vector<16xf32>, vector<16xi32> -> vector<16xf32>
      %add3A_142 = arith.addf %add3A_135, %gather3A_141 : vector<16xf32>
      %xor3A_143 = arith.constant 8 : i32
      %xor3A_144 = vector.broadcast %xor3A_143 : i32 to vector<16xi32>
      %xor3A_145 = arith.xori %iota3A, %xor3A_144 : vector<16xi32>
      %reshape3A_146 = vector.shape_cast %xor3A_145 : vector<16xi32> to vector<16x1xi32>
      %gather3A_147 = vector.shape_cast %reshape3A_146 : vector<16x1xi32> to vector<16xi32>
      %gather3A_148 = tpu.dynamic_gather %add3A_142[%gather3A_147] in [0] : vector<16xf32>, vector<16xi32> -> vector<16xf32>
      %add3A_149 = arith.addf %add3A_142, %gather3A_148 : vector<16xf32>
      %iota3A_150 = tpu.iota {dimensions = array<i32: 0>} : vector<16xi32>
      %xor3A_151 = arith.constant 1 : i32
      %xor3A_152 = vector.broadcast %xor3A_151 : i32 to vector<16xi32>
      %xor3A_153 = arith.xori %iota3A_150, %xor3A_152 : vector<16xi32>
      %reshape3A_154 = vector.shape_cast %xor3A_153 : vector<16xi32> to vector<16x1xi32>
      %gather3A_155 = vector.shape_cast %reshape3A_154 : vector<16x1xi32> to vector<16xi32>
      %gather3A_156 = tpu.dynamic_gather %scan3A_124#1[%gather3A_155] in [0] : vector<16xf32>, vector<16xi32> -> vector<16xf32>
      %add3A_157 = arith.addf %scan3A_124#1, %gather3A_156 : vector<16xf32>
      %xor3A_158 = arith.constant 2 : i32
      %xor3A_159 = vector.broadcast %xor3A_158 : i32 to vector<16xi32>
      %xor3A_160 = arith.xori %iota3A_150, %xor3A_159 : vector<16xi32>
      %reshape3A_161 = vector.shape_cast %xor3A_160 : vector<16xi32> to vector<16x1xi32>
      %gather3A_162 = vector.shape_cast %reshape3A_161 : vector<16x1xi32> to vector<16xi32>
      %gather3A_163 = tpu.dynamic_gather %add3A_157[%gather3A_162] in [0] : vector<16xf32>, vector<16xi32> -> vector<16xf32>
      %add3A_164 = arith.addf %add3A_157, %gather3A_163 : vector<16xf32>
      %xor3A_165 = arith.constant 4 : i32
      %xor3A_166 = vector.broadcast %xor3A_165 : i32 to vector<16xi32>
      %xor3A_167 = arith.xori %iota3A_150, %xor3A_166 : vector<16xi32>
      %reshape3A_168 = vector.shape_cast %xor3A_167 : vector<16xi32> to vector<16x1xi32>
      %gather3A_169 = vector.shape_cast %reshape3A_168 : vector<16x1xi32> to vector<16xi32>
      %gather3A_170 = tpu.dynamic_gather %add3A_164[%gather3A_169] in [0] : vector<16xf32>, vector<16xi32> -> vector<16xf32>
      %add3A_171 = arith.addf %add3A_164, %gather3A_170 : vector<16xf32>
      %xor3A_172 = arith.constant 8 : i32
      %xor3A_173 = vector.broadcast %xor3A_172 : i32 to vector<16xi32>
      %xor3A_174 = arith.xori %iota3A_150, %xor3A_173 : vector<16xi32>
      %reshape3A_175 = vector.shape_cast %xor3A_174 : vector<16xi32> to vector<16x1xi32>
      %gather3A_176 = vector.shape_cast %reshape3A_175 : vector<16x1xi32> to vector<16xi32>
      %gather3A_177 = tpu.dynamic_gather %add3A_171[%gather3A_176] in [0] : vector<16xf32>, vector<16xi32> -> vector<16xf32>
      %add3A_178 = arith.addf %add3A_171, %gather3A_177 : vector<16xf32>
      %gt3A = arith.constant 0.000000e+00 : f32
      %gt3A_179 = vector.broadcast %gt3A : f32 to vector<16xf32>
      %gt3A_180 = arith.cmpf ogt, %add3A_178, %gt3A_179 : vector<16xf32>
      %max3A = arith.constant 1.000000e+00 : f32
      %max3A_181 = vector.broadcast %max3A : f32 to vector<16xf32>
      %max3A_182 = arith.maximumf %add3A_178, %max3A_181 : vector<16xf32>
      %div3A = arith.divf %add3A_149, %max3A_182 : vector<16xf32>
      %broadcast_in_dim3A_183 = arith.constant 0.000000e+00 : f32
      %broadcast_in_dim3A_184 = vector.broadcast %broadcast_in_dim3A_183 : f32 to vector<16xf32>
      %select_n3A = arith.select %gt3A_180, %div3A, %broadcast_in_dim3A_184 : vector<16xi1>, vector<16xf32>
      %swap3A_185 = arith.constant 0 : index
      %swap3A_186 = tpu.vector_load %arg13[%swap3A_185] {strides = array<i32>} : memref<16xf32, #tpu.memory_space<vmem>>, vector<16xf32>,
      %swap3A_187 = vector.shape_cast %swap3A_186 : vector<16xf32> to vector<16xf32>
      %swap3A_188 = vector.shape_cast %select_n3A : vector<16xf32> to vector<16xf32>
      tpu.vector_store %arg13[%swap3A_185], %swap3A_188 {strides = array<i32>} : memref<16xf32, #tpu.memory_space<vmem>>, vector<16xf32>,
      "tpu.region"() ({
        %run_scoped3A = tpu.sem_alloc : memref<!tpu.dma_semaphore, #tpu.memory_space<semaphore_mem>>
        tpu.enqueue_dma source(%arg13 : memref<16xf32, #tpu.memory_space<vmem>>) target(%arg4 : memref<16xf32, #tpu.memory_space<hbm>>) target_semaphore(%run_scoped3A : memref<!tpu.dma_semaphore, #tpu.memory_space<semaphore_mem>>)
        tpu.wait_dma2 semaphore(%run_scoped3A : memref<!tpu.dma_semaphore, #tpu.memory_space<semaphore_mem>>) src(%arg13 : memref<16xf32, #tpu.memory_space<vmem>>) dst(%arg4 : memref<16xf32, #tpu.memory_space<hbm>>)
        tpu.yield
      }) : () -> ()
    } else {
    }
    return
  }
}

</mosaic_0001>

<sc_bundles>
// kernel: kernel.3.cloned.1.call-start
scs
__scs_entry_jumppad:
0x0: {  	(pc) =	sbr.rel $0x88, $3  }
0x1: {  	(tag) =	ssettag $0x0;
	lr =	simm.s32 $0x1  }
0x2: {  	[smem:$0x3F9F] =	sst lr;
	_ =	strace $0xD0000000  }
0x3: {  	_ = 	snop  }
0x4: {  	_ = 	snop  }
0x5: {  	_ = 	snop  }
0x6: {  	_ = 	snop  }
0x7: {  	_ = 	snop  }
__scs_overlays_trampoline_lowered:
0x8: {  	[smem:$0x3FAE] =	sst s0  }
0x9: {  	[smem:$0x3FAF] =	sst s1  }
0xa: {  	[smem:$0x3FB0] =	sst s2  }
0xb: {  	[smem:$0x3FB1] =	sst s3  }
0xc: {  	[smem:$0x3FB2] =	sst s4  }
0xd: {  	[smem:$0x3FB3] =	sst s5  }
0xe: {  	[smem:$0x3FB4] =	sst s6  }
0xf: {  	[smem:$0x3FB5] =	sst s7  }
0x10: {  	[smem:$0x3FB6] =	sst s8  }
0x11: {  	[smem:$0x3FB7] =	sst s9;
	s0 =	simm.s32 @!p0 $0x0  }
0x12: {  	s1 =	sld [smem:$0x3F9D];
	s0 =	simm.s32 @p0 $0x1  }
0x13: {  	[smem:$0x3FB8] =	sst s0;
	s0 =	simm.s32 @!p1 $0x0  }
0x14: {  	s2 =	sld [smem:$0x3F9C];
	s0 =	simm.s32 @p1 $0x1  }
0x15: {  	[smem:$0x3FB9] =	sst s0;
	s0 =	simm.s32 @!p2 $0x0  }
0x16: {  	s3 =	sld [smem:$0x3FDB];
	s0 =	simm.s32 @p2 $0x1  }
0x17: {  	s4 =	simm.s32 $0x1BF5;
	[smem:$0x3FBB] =	sst s0  }
0x18: {  	s0 =	sld [smem:$0x3F9E];
	_ =	swait.ge [sflag:s4], $0x0  }
0x19: {  	s7 =	sld [smem:$0x3F9F]  }
0x1a: {  	s8 =	sadd.s32 $0xFFFFE003, lr  }
0x1b: {  	s9 =	sadd.s32 $0xFFFFFEF7, lr;
	s5 =	simm.s32 $0xFFFFFFFF;
	p2 =	slt.u32 s8, $0xFFFFF086  }
0x1c: {  	p1 =	slt.u32 s9, $0xF7A;
	s5 =	simm.s32 @!p2 $0x0  }
0x1d: {  	s5 =	simm.s32 @p1 $0x1;
	p0 =	seq.s32 s7, s2  }
0x1e: {  	s7 =	smul.u32 @!p0 $0xF7A, s2;
	p2 =	seq.s32 @!p0 s5, $0x0  }
0x1f: {  	s9 =	smul.u32 $0xF7A, s1;
	s8 =	simm.s32 @!p0 $0x1BF5;
	p2 =	por !p2, p0  }
0x20: {  	[sflag:s8] =	ssyncset.s32 @!p0 $0xFFFFF086;
	s6 =	sadd.s32 @!p0 s3, s7;
	s7 =	simm.s32 @!p0 $0x108  }
0x21: {  	s3 =	sadd.s32 s3, s9;
	s6 =	sadd.s32 @!p0 $0x88, s6;
	s7 =	simm.s32 @p2 $0x1082  }
0x22: {  	[simem:s7], [sflag:s8] =	dma.local @!p0 [hbm:s6], $0xF7A  }
0x23: {  	s9 =	sor.u32 $0xD0000000, s2;
	s6 =	simm.s32 $0x108;
	_ =	swait.ge @!p0 [sflag:s8], $0x0  }
0x24: {  	s3 =	sadd.s32 $0x88, s3;
	s6 =	simm.s32 @!p1 $0x1082;
	[sflag:s4] =	ssyncset.s32 $0xFFFFF086  }
0x25: {  	[simem:s6], [sflag:s4] =	dma.local [hbm:s3], $0xF7A  }
0x26: {  	[smem:$0x3F9F] =	sst s1;
	(tag) =	ssettag s2;
	_ =	strace s9  }
0x27: {  	s1 =	sld [smem:$0x3FAF]  }
0x28: {  	s2 =	sld [smem:$0x3FB0]  }
0x29: {  	s4 =	sld [smem:$0x3FB2]  }
0x2a: {  	p0 =	seq.s32 s5, $0x0;
	s5 =	sld [smem:$0x3FB3]  }
0x2b: {  	s6 =	sld [smem:$0x3FB4]  }
0x2c: {  	s7 =	sld [smem:$0x3FB5]  }
0x2d: {  	s3 =	simm.s32 $0x108;
	s8 =	sld [smem:$0x3FB6]  }
0x2e: {  	s3 =	simm.s32 @!p0 $0x1082;
	s9 =	sld [smem:$0x3FB7]  }
0x2f: {  	lr =	sadd.s32 s0, s3;
	s0 =	sld [smem:$0x3FAE]  }
0x30: {  	s3 =	sld [smem:$0x3FB1]  }
0x31: {  	[smem:$0x3FBA] =	sst s10  }
0x32: {  	s10 =	sld [smem:$0x3FB8];
	_ =	sdelay $0x3  }
0x33: {  	p0 =	seq.s32 s10, $0x1;
	s10 =	sld [smem:$0x3FBA];
	_ =	sdelay $0x3  }
0x34: {  	[smem:$0x3FBA] =	sst s10  }
0x35: {  	s10 =	sld [smem:$0x3FB9];
	_ =	sdelay $0x3  }
0x36: {  	p1 =	seq.s32 s10, $0x1;
	s10 =	sld [smem:$0x3FBA];
	_ =	sdelay $0x3  }
0x37: {  	[smem:$0x3FBA] =	sst s10  }
0x38: {  	s10 =	sld [smem:$0x3FBB]  }
0x39: {  	_ = 	snop;
	(pc) =	sbr.ind lr, $3  }
0x3a: {  	_ = 	snop  }
0x3b: {  	_ = 	snop  }
0x3c: {  	p2 =	seq.s32 s10, $0x1;
	s10 =	sld [smem:$0x3FBA]  }
0x3d: {  	_ =	shalt  }
0x3e: {  	_ =	shalt  }
0x3f: {  	_ =	shalt  }
0x40: {  	_ =	shalt  }
0x41: {  	_ =	shalt  }
0x42: {  	_ =	shalt  }
0x43: {  	_ =	shalt  }
0x44: {  	_ =	shalt  }
0x45: {  	_ =	shalt  }
0x46: {  	_ =	shalt  }
0x47: {  	_ =	shalt  }
0x48: {  	_ =	shalt  }
0x49: {  	_ =	shalt  }
0x4a: {  	_ =	shalt  }
0x4b: {  	_ =	shalt  }
0x4c: {  	_ =	shalt  }
0x4d: {  	_ =	shalt  }
0x4e: {  	_ =	shalt  }
0x4f: {  	_ =	shalt  }
0x50: {  	_ =	shalt  }
0x51: {  	_ =	shalt  }
0x52: {  	_ =	shalt  }
0x53: {  	_ =	shalt  }
0x54: {  	_ =	shalt  }
0x55: {  	_ =	shalt  }
0x56: {  	_ =	shalt  }
0x57: {  	_ =	shalt  }
0x58: {  	_ =	shalt  }
0x59: {  	_ =	shalt  }
0x5a: {  	_ =	shalt  }
0x5b: {  	_ =	shalt  }
0x5c: {  	_ =	shalt  }
0x5d: {  	_ =	shalt  }
0x5e: {  	_ =	shalt  }
0x5f: {  	_ =	shalt  }
0x60: {  	_ =	shalt  }
0x61: {  	_ =	shalt  }
0x62: {  	_ =	shalt  }
0x63: {  	_ =	shalt  }
0x64: {  	_ =	shalt  }
0x65: {  	_ =	shalt  }
0x66: {  	_ =	shalt  }
0x67: {  	_ =	shalt  }
0x68: {  	_ =	shalt  }
0x69: {  	_ =	shalt  }
0x6a: {  	_ =	shalt  }
0x6b: {  	_ =	shalt  }
0x6c: {  	_ =	shalt  }
0x6d: {  	_ =	shalt  }
0x6e: {  	_ =	shalt  }
0x6f: {  	_ =	shalt  }
0x70: {  	_ =	shalt  }
0x71: {  	_ =	shalt  }
0x72: {  	_ =	shalt  }
0x73: {  	_ =	shalt  }
0x74: {  	_ =	shalt  }
0x75: {  	_ =	shalt  }
0x76: {  	_ =	shalt  }
0x77: {  	_ =	shalt  }
0x78: {  	_ =	shalt  }
0x79: {  	_ =	shalt  }
0x7a: {  	_ =	shalt  }
0x7b: {  	_ =	shalt  }
0x7c: {  	_ =	shalt  }
0x7d: {  	_ =	shalt  }
0x7e: {  	_ =	shalt  }
0x7f: {  	_ =	shalt  }
0x80: {  	_ =	shalt  }
0x81: {  	_ =	shalt  }
0x82: {  	_ =	shalt  }
0x83: {  	_ =	shalt  }
0x84: {  	_ =	shalt  }
0x85: {  	_ =	shalt  }
0x86: {  	_ =	shalt  }
0x87: {  	_ =	shalt  }
.Lfunc_end0:
.L_simem_size_0:
called_computation_lowered:
.L_overlay_start_0:
0x88: {  	s0 =	sld [smem:$0x3FD9]  }
0x89: {  	s1 =	sld [smem:$0x3FFE];
	_ =	sdelay $0x3  }
0x8a: {  	s0 =	sadd.s32 s1, s0  }
0x8b: {  	[smem:$0x3FC6] =	sst s0  }
0x8c: {  	_ = 	snop  }
0x8d: {  	s0 =	sld [smem:$0x3FC9]  }
0x8e: {  	s16 =	sld [smem:$0x3FC8]  }
0x8f: {  	s2 =	sld [smem:$0x3FD0];
	(tm) =	ssettm $0x1  }
0x90: {  	s3 =	sld [smem:$0x3FFB];
	_ =	sdelay $0x3  }
0x91: {  	_ =	strace s3  }
0x92: {  	s3 =	sld [smem:$0x3FFC];
	_ =	sdelay $0x3  }
0x93: {  	_ =	strace s3  }
0x94: {  	s3 =	sld [smem:$0x3FFD];
	_ =	sdelay $0x3  }
0x95: {  	_ =	strace s3  }
0x96: {  	_ =	strace $0x8FFFFFFF  }
0x97: {  	s17 =	sld [smem:$0x3FDB];
	_ =	sdelay $0x1  }
0x98: {  	s4 =	simm.s32 $_scs_section_size  }
0x99: {  	s5 =	simm.s32 $_size__tile_overlayer_lowered;
	s6 =	simm.s32 $_tile_overlayer_lowered  }
0x9a: {  	s20 =	simm.s32 $0x1BFF;
	s19 =	sshll.u32 s6, $0x1;
	s3 =	sadd.s32 s4, s17  }
0x9b: {  	s7 =	simm.s32 $0x0;
	s18 =	sshll.u32 s5, $0x1;
	s5 =	sadd.s32 s19, s3  }
0x9c: {  	[timem:s7], [sflag:s20] =	dma.local [hbm:s5], s18  }
0x9d: {  	_ =	swait.ge [sflag:s20], s18  }
0x9e: {  	s4 =	ssub.s32 $0x0, s18;
	[sflag:s20] =	ssyncset.done $0x0  }
0x9f: {  	[sflag:s20] =	ssyncadd.s32 s4;
	_ =	sdelay $0x1  }
0xa0: {  	s21 =	simm.s32 $0x1B8B  }
0xa1: {  	_ =	swait.ge [sflag:s21], $0x1  }
0xa2: {  	[sflag:s21] =	ssyncset.done $0x0  }
0xa3: {  	s23 =	simm.s32 $0x1B8E;
	s22 =	sld [smem:$0x3FFE];
	[sflag:s21] =	ssyncadd.s32 $0xFFFFFFFF  }
0xa4: {  	s24 =	simm.s32 $execute0_lowered;
	[smem:$0x3FD2] =	sst s23  }
0xa5: {  	s5 =	sshll.u32 s24, $0x1;
	_ =	strace $0x80000046;
	[dreg:$0x1] =	wrdreg $0xFFFFFFFF  }
0xa6: {  	s25 =	simm.s32 $_size_execute0_lowered;
	s3 =	sadd.s32 s3, s5;
	[dreg:$0x0] =	wrdreg $0x0  }
0xa7: {  	s5 =	sshll.u32 s25, $0x1;
	[dreg:$0x2] =	wrdreg s3  }
0xa8: {  	[dreg:$0x3] =	wrdreg s5  }
0xa9: {  	[dreg:$0x4] =	wrdreg $0xC0  }
0xaa: {  	_ =	task [dreg:s7], $0x5FFFF  }
0xab: {  	[dreg:$0x1] =	wrdreg $0xFFFFFFFF  }
0xac: {  	[dreg:$0x0] =	wrdreg $0x60  }
0xad: {  	[dreg:$0x2] =	wrdreg s0  }
0xae: {  	[dreg:$0x3] =	wrdreg s16  }
0xaf: {  	[dreg:$0x4] =	wrdreg s2  }
0xb0: {  	[dreg:$0x5] =	wrdreg s22  }
0xb1: {  	[dreg:$0x6] =	wrdreg $0x9  }
0xb2: {  	_ =	task.clear_ibuf [dreg:s7], $0x7FFFF;
	_ =	strace $0x90000046  }
0xb3: {  	s26 =	simm.s32 $0x9;
	_ =	strace $0x80000048  }
0xb4: {  	_ =	swait.ge [sflag:s26], $0x1  }
0xb5: {  	[sflag:s26] =	ssyncadd.s32 $0xFFFFFFFF  }
0xb6: {  	_ =	strace $0x90000048  }
0xb7: {  	_ =	sfence  }
0xb8: {  	s28 =	sld [smem:$0x0];
	_ =	sdelay $0x1  }
0xb9: {  	s29 =	srdreg.scid  }
0xba: {  	s30 =	sshll.u32 s29, $0xD;
	s31 =	sshrl.u32 s29, $0x2  }
0xbb: {  	s1 =	sand.u32 $0x1, s29;
	s2 =	sand.u32 $0x4000, s30;
	s0 =	sadd.s32 s31, s28  }
0xbc: {  	s1 =	sor.u32 s2, s1;
	s0 =	sshll.u32 s0, $0x11  }
0xbd: {  	s0 =	sor.u32 s0, s1  }
0xbe: {  	s0 =	sadd.s32 $0x8F2B, s0  }
0xbf: {  	[sflag:s0] =	ssyncadd.remote.s32 $0x1  }
0xc0: {  	_ =	sfence.sel $0xFFFF  }
0xc1: {  	[dreg:$0x0] =	wrdreg $0xFFFFFFFF;
	(pc) =	sbr.abs _section_cstart, $3  }
0xc2: {  	[dreg:$0x1] =	wrdreg $0xFFFFFFFF  }
0xc3: {  	_ =	task.clear_ibuf [dreg:s7], $0x2FFFF;
	_ =	strace $0x9FFFFFFF  }
0xc4: {  	(tm) =	ssettm $0x7FFFFFFF  }
0xc5: {  	_ =	shalt  }
tec
execute0_lowered:
.L_overlay_start_1:
0x0: {  	(tag) =	ssettag $0x1  }
0x1: {  	s4 =	rddreg [dreg:$0x0]  }
0x2: {  	s3 =	rddreg [dreg:$0x1]  }
0x3: {  	s1 =	rddreg [dreg:$0x2]  }
0x4: {  	s7 =	rddreg [dreg:$0x3];
	s2 =	stileid.u32  }
0x5: {  	s0 =	rddreg [dreg:$0x4];
	s6 =	sshll.u32 s2, $0x6;
	s8 =	sshll.u32 s2, $0x4  }
0x6: {  	s5 =	simm.s32 $0x0;
	s6 =	sand.u32 $0x200, s6;
	s8 =	sand.u32 $0x70, s8  }
0x7: {  	s26 =	simm.s32 $0x80;
	[smem:$0x7FF] =	sst s5;
	s6 =	sor.u32 s8, s6  }
0x8: {  	s28 =	simm.s32 $0x400;
	_ =	strace $0x80000047;
	s3 =	sadd.s32 s3, s6  }
0x9: {  	[tilespmem:s5], [sflag:$0x1] =	stream.strided.gather [hbm4b:s3+s26], $0x200, s28, s26, $0x38;
	[tilespmem:$0x1B80] =	vst v63  }
0xa: {  	s9 =	simm.s32 $0x200;
	s29 =	sadd.s32 $0x400, s3  }
0xb: {  	[tilespmem:s9], [sflag:$0x1] =	stream.strided.gather [hbm4b:s29+s26], $0x200, s28, s26, $0x38;
	[tilespmem:$0x1B80] =	vst v63  }
0xc: {  	s30 =	simm.s32 $0x1;
	s3 =	sadd.s32 $0x800, s3  }
0xd: {  	[tilespmem:s28], [sflag:$0x2] =	stream.strided.gather [hbm4b:s3+s26], $0x200, s28, s26, $0x38;
	[tilespmem:$0x1B80] =	vst v63  }
0xe: {  	_ =	swait.ge [sflag:s30], $0x200  }
0xf: {  	[sflag:s30] =	ssyncset.done $0x0  }
0x10: {  	[sflag:s30] =	ssyncadd.s32 $0xFFFFFE00  }
0x11: {  	_ =	swait.ge [sflag:s30], $0x200  }
0x12: {  	[sflag:s30] =	ssyncset.done $0x0  }
0x13: {  	s5 =	simm.s32 $0x0;
	[sflag:s30] =	ssyncadd.s32 $0xFFFFFE00  }
0x14: {  	v0 =	vld [tilespmem:s5+$0x0];
	_ =	sdelay $0x3  }
0x15: {  	v1 =	vld [tilespmem:s5+$0x200]  }
0x16: {  	v0 =	vtrunc.f32 v0  }
0x17: {  	s31 =	smul.u32 $0x30, s2;
	s6 =	simm.s32 $0x10;
	v0 =	vcvt.f32.s32 v0  }
0x18: {  	v3 =	vld [tilespmem:s6+$0x0]  }
0x19: {  	v2 =	vmov s31;
	v4 =	vshrl.u32 v0, $0x3  }
0x1a: {  	v1 =	vtrunc.f32 v1;
	v5 =	vadd.s32 v2, v4;
	v4 =	vld [tilespmem:s6+$0x200]  }
0x1b: {  	v1 =	vcvt.f32.s32 v1  }
0x1c: {  	s3 =	sadd.s32 $0x800, s7;
	s7 =	simm.s32 $0x80;
	v5 =	vmul.u32 $0x3, v5  }
.LBB2_1:
0x1d: {  	s8 =	sshra.s32 s7, $0x2;
	p0 =	sne.s32 s7, $0x7C0;
	s7 =	sadd.s32 $0x40, s7;
	v6 =	vtrunc.f32 v3;
	v7 =	vshrl.u32 v1, $0x7  }
.Ltmp0:
0x1e: {  	v3 =	vld [tilespmem:s8+$0x0];
	v5 =	vadd.s32 v7, v5;
	v7 =	vshll.u32 v0, $0x7;
	v0 =	vcvt.f32.s32 v6;
	(pc) =	sbr.rel @p0 .LBB2_1-.Ltmp0, $4  }
0x1f: {  	v6 =	vtrunc.f32 v4;
	v5 =	vshll.u32 v5, $0xA;
	v7 =	vand.u32 $0x380, v7  }
0x20: {  	v4 =	vld [tilespmem:s8+$0x200];
	v8 =	vshrl.u32 v0, $0x3;
	v5 =	vor.u32 v7, v5;
	v7 =	vand.u32 $0x7F, v1  }
0x21: {  	v1 =	vcvt.f32.s32 v6;
	v6 =	vadd.s32 v2, v8;
	v7 =	vor.u32 v7, v5  }
0x22: {  	v5 =	vmul.u32 $0x3, v6;
	[tilespmem:s5+$0x600] =	vst v7;
	s5 =	smov.u32 s6;
	s6 =	smov.u32 s8  }
0x23: {  	v3 =	vtrunc.f32 v3  }
0x24: {  	v3 =	vcvt.f32.s32 v3;
	_ =	sdelay $0x1  }
0x25: {  	v4 =	vtrunc.f32 v4;
	v6 =	vshrl.u32 v3, $0x3  }
0x26: {  	v0 =	vshll.u32 v0, $0x7;
	v4 =	vcvt.f32.s32 v4;
	v2 =	vadd.s32 v2, v6  }
0x27: {  	v0 =	vand.u32 $0x380, v0;
	v6 =	vshrl.u32 v1, $0x7;
	v2 =	vmul.u32 $0x3, v2  }
0x28: {  	v3 =	vshll.u32 v3, $0x7;
	v5 =	vadd.s32 v6, v5;
	v6 =	vshrl.u32 v4, $0x7  }
0x29: {  	v1 =	vand.u32 $0x7F, v1;
	v5 =	vshll.u32 v5, $0xA;
	v2 =	vadd.s32 v6, v2  }
0x2a: {  	v3 =	vand.u32 $0x380, v3;
	v0 =	vor.u32 v0, v5;
	v2 =	vshll.u32 v2, $0xA  }
0x2b: {  	v0 =	vor.u32 v1, v0;
	v1 =	vor.u32 v3, v2;
	v2 =	vand.u32 $0x7F, v4  }
0x2c: {  	[tilespmem:s5+$0x600] =	vst v0;
	v0 =	vor.u32 v2, v1  }
0x2d: {  	s20 =	simm.s32 $0x80;
	s21 =	simm.s32 $0x600;
	s7 =	simm.s32 $0x800;
	[tilespmem:s6+$0x600] =	vst v0  }
0x2e: {  	[tilespmem:s7], [sflag:$0x3] =	stream.indirect.gather [hbm4b:s4+s20], $0x1, s21, s20, $0xb8;
	[tilespmem:$0x1B80] =	vst v63  }
0x2f: {  	s22 =	simm.s32 $0x680;
	s23 =	simm.s32 $0x880  }
0x30: {  	[tilespmem:s23], [sflag:$0x3] =	stream.indirect.gather [hbm4b:s4+s20], $0x1, s22, s20, $0xb8;
	[tilespmem:$0x1B80] =	vst v63  }
0x31: {  	s24 =	simm.s32 $0x700;
	s25 =	simm.s32 $0x900  }
0x32: {  	[tilespmem:s25], [sflag:$0x3] =	stream.indirect.gather [hbm4b:s4+s20], $0x1, s24, s20, $0xb8;
	[tilespmem:$0x1B80] =	vst v63  }
0x33: {  	s26 =	simm.s32 $0x780;
	s28 =	simm.s32 $0x980;
	s29 =	simm.s32 $0x2  }
0x34: {  	[tilespmem:s28], [sflag:$0x3] =	stream.indirect.gather [hbm4b:s4+s20], $0x1, s26, s20, $0xb8;
	[tilespmem:$0x1B80] =	vst v63  }
0x35: {  	_ =	swait.ge [sflag:s29], $0x200  }
0x36: {  	[sflag:s29] =	ssyncset.done $0x0  }
0x37: {  	s30 =	simm.s32 $0x3;
	[sflag:s29] =	ssyncadd.s32 $0xFFFFFE00  }
0x38: {  	_ =	swait.ge [sflag:s30], $0x80  }
0x39: {  	[sflag:s30] =	ssyncset.done $0x0  }
0x3a: {  	[sflag:s30] =	ssyncadd.s32 $0xFFFFFF80  }
0x3b: {  	_ =	swait.ge [sflag:s30], $0x80  }
0x3c: {  	[sflag:s30] =	ssyncset.done $0x0  }
0x3d: {  	[sflag:s30] =	ssyncadd.s32 $0xFFFFFF80  }
0x3e: {  	_ =	swait.ge [sflag:s30], $0x80  }
0x3f: {  	[sflag:s30] =	ssyncset.done $0x0  }
0x40: {  	[sflag:s30] =	ssyncadd.s32 $0xFFFFFF80  }
0x41: {  	_ =	swait.ge [sflag:s30], $0x80  }
0x42: {  	[sflag:s30] =	ssyncset.done $0x0  }
0x43: {  	s31 =	simm.s32 $0x0;
	[sflag:s30] =	ssyncadd.s32 $0xFFFFFF80  }
0x44: {  	v3 =	vld [tilespmem:s31+$0x800]  }
0x45: {  	v4 =	vld [tilespmem:s31+$0x400];
	_ =	sdelay $0x2  }
0x46: {  	v1 =	vimm.f32 $0.0e+00;
	v2 =	vimm.f32 $0.0e+00;
	v0 =	vimm.f32 $0.0e+00;
	s4 =	simm.s32 $0x40  }
.LBB2_3:
0x47: {  	s5 =	sshra.s32 s4, $0x2;
	p0 =	sne.s32 s4, $0x7C0  }
.Ltmp1:
0x48: {  	s4 =	sadd.s32 $0x40, s4;
	v5 =	vsub.f32 v3, v4;
	v3 =	vld [tilespmem:s5+$0x800];
	v6 =	vmov v4;
	(pc) =	sbr.rel @p0 .LBB2_3-.Ltmp1, $4  }
0x49: {  	v4 =	vld [tilespmem:s5+$0x400]  }
0x4a: {  	vm0 =	vgt.f32 v6, $0.0e+00;
	v5 =	vand.u32 $0x7FFFFFFF, v5  }
0x4b: {  	v6 =	vsel vm0, $0x3F800000, v0;
	v5 =	vnsel vm0, $0x0, v5  }
0x4c: {  	v2 =	vadd.f32 v6, v2;
	v1 =	vadd.f32 v5, v1  }
0x4d: {  	_ = 	snop  }
0x4e: {  	v3 =	vsub.f32 v3, v4  }
0x4f: {  	vm0 =	vgt.f32 v4, $0.0e+00  }
0x50: {  	v0 =	vsel vm0, $0x3F800000, v0;
	v3 =	vand.u32 $0x7FFFFFFF, v3  }
0x51: {  	v0 =	vadd.f32 v0, v2;
	v3 =	vnsel vm0, $0x0, v3  }
0x52: {  	v1 =	vadd.f32 v3, v1  }
0x53: {  	s4 =	sshll.u32 s2, $0x5;
	[tilespmem:$0xA80] =	vst v0  }
0x54: {  	s6 =	simm.s32 $0xA00;
	s5 =	sadd.s32 s3, s4;
	s4 =	simm.s32 $0x0;
	[tilespmem:$0xA00] =	vst v1  }
0x55: {  	[hbm4b:s5+s4] =	stream.linear.scatter [tilespmem:s6], [sflag:$0x4], $0x100, $0x38;
	[tilespmem:$0x1B80] =	vst v63  }
0x56: {  	s5 =	simm.s32 $0x4  }
0x57: {  	_ =	swait.ge [sflag:s5], $0x100  }
0x58: {  	[sflag:s5] =	ssyncset.done $0x0  }
0x59: {  	[sflag:s5] =	ssyncadd.s32 $0xFFFFFF00  }
0x5a: {  	p0 =	sne.s32 s2, $0x0;
	[bflag:$0x0] =	sbarrier.arrive $0xFFFF  }
0x5b: {  	_ =	sfence.sel @p0 $0x180000  }
0x5c: {  	[bflag:$0x0] =	sbarrier.arrive @p0 $0xFFFF  }
0x5d: {  	_ =	strace @p0 $0x90000047  }
0x5e: {  	[bflag:$0x2] =	sbarrier.arrive @p0 $0xFFFF  }
0x5f: {  	_ =	shalt @p0  }
.LBB2_5:
0x60: {  	s2 =	simm.s32 $0xB00  }
0x61: {  	[tilespmem:s2], [sflag:$0x4] =	stream.linear.gather [hbm4b:s3+s4], $0x1000, $0x38;
	[tilespmem:$0x1B80] =	vst v63  }
0x62: {  	_ =	swait.ge [sflag:s5], $0x1000  }
0x63: {  	[sflag:s5] =	ssyncset.done $0x0  }
0x64: {  	[sflag:s5] =	ssyncadd.s32 $0xFFFFF000  }
0x65: {  	v0 =	vld [tilespmem:$0xB80];
	_ =	sdelay $0x1  }
0x66: {  	v1 =	vld [tilespmem:$0xC80];
	_ =	sdelay $0x1  }
0x67: {  	v2 =	vld [tilespmem:$0xD80]  }
0x68: {  	v0 =	vadd.f32 $0.0e+00, v0  }
0x69: {  	v3 =	vld [tilespmem:$0xE80]  }
0x6a: {  	v0 =	vadd.f32 v1, v0  }
0x6b: {  	v21 =	vld [tilespmem:$0xF80]  }
0x6c: {  	v0 =	vadd.f32 v2, v0  }
0x6d: {  	v22 =	vld [tilespmem:$0x1080]  }
0x6e: {  	v4 =	vld [tilespmem:$0xB00];
	v0 =	vadd.f32 v3, v0  }
0x6f: {  	v24 =	vld [tilespmem:$0x1180]  }
0x70: {  	v5 =	vld [tilespmem:$0xC00];
	v0 =	vadd.f32 v21, v0  }
0x71: {  	v26 =	vld [tilespmem:$0x1280]  }
0x72: {  	v6 =	vld [tilespmem:$0xD00];
	v0 =	vadd.f32 v22, v0  }
0x73: {  	v28 =	vld [tilespmem:$0x1380];
	v23 =	vadd.f32 $0.0e+00, v4  }
0x74: {  	v7 =	vld [tilespmem:$0xE00];
	v0 =	vadd.f32 v24, v0  }
0x75: {  	v30 =	vld [tilespmem:$0x1480];
	v25 =	vadd.f32 v5, v23  }
0x76: {  	v27 =	vld [tilespmem:$0xF00];
	v0 =	vadd.f32 v26, v0  }
0x77: {  	v32 =	vld [tilespmem:$0x1580];
	v1 =	vadd.f32 v6, v25  }
0x78: {  	v29 =	vld [tilespmem:$0x1000];
	v0 =	vadd.f32 v28, v0  }
0x79: {  	v34 =	vld [tilespmem:$0x1680];
	v1 =	vadd.f32 v7, v1  }
0x7a: {  	v31 =	vld [tilespmem:$0x1100];
	v0 =	vadd.f32 v30, v0  }
0x7b: {  	v36 =	vld [tilespmem:$0x1780];
	v1 =	vadd.f32 v27, v1  }
0x7c: {  	v33 =	vld [tilespmem:$0x1200];
	v0 =	vadd.f32 v32, v0  }
0x7d: {  	v38 =	vld [tilespmem:$0x1880];
	v1 =	vadd.f32 v29, v1  }
0x7e: {  	v35 =	vld [tilespmem:$0x1300];
	v0 =	vadd.f32 v34, v0  }
0x7f: {  	v40 =	vld [tilespmem:$0x1980];
	v1 =	vadd.f32 v31, v1  }
0x80: {  	v42 =	vimm.s32 $0xEFCDAB89;
	v8 =	vimm.s32 $0x67452301;
	v37 =	vld [tilespmem:$0x1400];
	v0 =	vadd.f32 v36, v0  }
0x81: {  	v8 =	vunpack.c.l.s4.s8 v8;
	v43 =	vld [tilespmem:$0x1A80];
	v4 =	vunpack.c.l.s4.s8 v42;
	v1 =	vadd.f32 v33, v1  }
0x82: {  	v47 =	vimm.s32 $0x54761032;
	v39 =	vld [tilespmem:$0x1500];
	v0 =	vadd.f32 v38, v0  }
0x83: {  	v45 =	vunpack.c.0.s8.s32 v8;
	v44 =	vunpack.c.0.s8.s32 v4;
	v1 =	vadd.f32 v35, v1  }
0x84: {  	v46 =	vimm.s32 $0xDCFE98BA;
	v49 =	vunpack.c.l.s4.s8 v47;
	v41 =	vld [tilespmem:$0x1600];
	v0 =	vadd.f32 v40, v0  }
0x85: {  	v2 =	vunpack.c.l.s4.s8 v46;
	v3 =	vcombine.low v45, v44;
	v1 =	vadd.f32 v37, v1  }
0x86: {  	v52 =	vimm.s32 $0x32107654;
	v48 =	vld [tilespmem:$0x1700];
	v4 =	vunpack.c.0.s8.s32 v49;
	v0 =	vadd.f32 v43, v0  }
0x87: {  	v2 =	vunpack.c.0.s8.s32 v2;
	v3 =	vand.u32 $0xF, v3;
	v1 =	vadd.f32 v39, v1  }
0x88: {  	v51 =	vimm.s32 $0xBA98FEDC;
	v54 =	vunpack.c.l.s4.s8 v52;
	v50 =	vld [tilespmem:$0x1800];
	v9 =	vperm.xlane v0, v3  }
0x89: {  	v53 =	vunpack.c.l.s4.s8 v51;
	v2 =	vcombine.low v4, v2;
	v1 =	vadd.f32 v41, v1  }
0x8a: {  	v55 =	vld [tilespmem:$0x1900];
	v6 =	vunpack.c.0.s8.s32 v54;
	v0 =	vadd.f32 v9, v0  }
0x8b: {  	v4 =	vunpack.c.0.s8.s32 v53;
	v2 =	vand.u32 $0xF, v2;
	v1 =	vadd.f32 v48, v1  }
0x8c: {  	v57 =	vimm.s32 $0xFEDCBA98;
	v58 =	vimm.s32 $0x76543210;
	v56 =	vld [tilespmem:$0x1A00];
	v9 =	vperm.xlane v0, v2  }
0x8d: {  	v8 =	vunpack.c.l.s4.s8 v57;
	v4 =	vcombine.low v6, v4;
	v1 =	vadd.f32 v50, v1  }
0x8e: {  	v6 =	vunpack.c.l.s4.s8 v58;
	v0 =	vadd.f32 v9, v0  }
0x8f: {  	v59 =	vunpack.c.0.s8.s32 v8;
	v4 =	vand.u32 $0xF, v4;
	v1 =	vadd.f32 v55, v1  }
0x90: {  	v6 =	vunpack.c.0.s8.s32 v6;
	v60 =	vperm.xlane v0, v4  }
0x91: {  	v61 =	vand.u32 $0xF, v59;
	v1 =	vadd.f32 v56, v1  }
0x92: {  	v5 =	vcombine.low v61, v6;
	v0 =	vadd.f32 v60, v0  }
0x93: {  	v3 =	vperm.xlane v1, v3  }
0x94: {  	v6 =	vperm.xlane v0, v5  }
0x95: {  	v1 =	vadd.f32 v3, v1  }
0x96: {  	v0 =	vadd.f32 v6, v0  }
0x97: {  	v2 =	vperm.xlane v1, v2  }
0x98: {  	v62 =	vmax.f32 v0, $1.000000000e+00  }
0x99: {  	v1 =	vadd.f32 v2, v1;
	(erf) = vrcp.f32 v62;
	_ =	sdelay $0x1  }
0x9a: {  	v2 =	vperm.xlane v1, v4;
	_ =	sdelay $0x1  }
0x9b: {  	v1 =	vadd.f32 v2, v1;
	_ =	sdelay $0x1  }
0x9c: {  	v2 =	vperm.xlane v1, v5;
	_ =	sdelay $0x1  }
0x9d: {  	v1 =	vadd.f32 v2, v1  }
0x9e: {  	v63 =	vpop (erf)  }
0x9f: {  	v1 =	vmul.f32 v63, v1  }
0xa0: {  	vm0 =	vgt.f32 v0, $0.0e+00  }
0xa1: {  	v0 =	vnsel vm0, $0x0, v1  }
0xa2: {  	s31 =	simm.s32 $0x1B00;
	[tilespmem:$0x1B00] =	vst v0  }
0xa3: {  	[hbm4b:s1+s4] =	stream.linear.scatter [tilespmem:s31], [sflag:$0x4], $0x80, $0x38;
	[tilespmem:$0x1B80] =	vst v63  }
0xa4: {  	_ =	swait.ge [sflag:s5], $0x80  }
0xa5: {  	[sflag:s5] =	ssyncset.done $0x0  }
0xa6: {  	[sflag:s5] =	ssyncadd.s32 $0xFFFFFF80  }
0xa7: {  	_ =	sfence.sel $0x180000  }
0xa8: {  	[bflag:$0x0] =	sbarrier.arrive $0xFFFF  }
0xa9: {  	_ =	strace $0x90000047  }
0xaa: {  	s0 =	sadd.s32 $0x100000, s0;
	[bflag:$0x2] =	sbarrier.arrive $0xFFFF  }
0xab: {  	[sflag:s0] =	ssyncadd.tile.s32 $0x1;
	_ =	shalt  }
.Lfunc_end2:
_tile_overlayer_lowered:
.L_overlay_start_2:
0xac: {  	(tag) =	ssettag $0x2  }
0xad: {  	s0 =	rddreg [dreg:$0x0];
	s2 =	stileid.u32  }
0xae: {  	s1 =	rddreg [dreg:$0x1];
	p0 =	sne.s32 s2, $0x0  }
0xaf: {  	s3 =	rddreg [dreg:$0x2];
	[bflag:$0x3] =	sbarrier.arrive $0xFFFF;
	s2 =	simm.s32 @!p0 $0x1C04  }
0xb0: {  	[timem:s3], [sflag:s2] =	dma.local @!p0 [hbm:s0], s1  }
0xb1: {  	s0 =	simm.s32 @!p0 $0x4  }
0xb2: {  	_ =	swait.ge @!p0 [sflag:s0], s1  }
0xb3: {  	s1 =	ssub.s32 @!p0 $0x0, s1;
	[sflag:s0] =	ssyncset.done @!p0 $0x0  }
0xb4: {  	[sflag:s0] =	ssyncadd.s32 @!p0 s1  }
0xb5: {  	[bflag:$0x3] =	sbarrier.arrive $0xFFFF  }
0xb6: {  	_ =	shalt  }

</sc_bundles>
